<compile_context>
chip_gen: v7x
topology: tpu7x:2x2x1
jax: 0.10.2.dev20260603
libtpu: 0.0.44.dev20260713+nightly
codegen_flags: <defaults>
</compile_context>

<pallas_src>
import functools

import jax
import jax.numpy as jnp
from jax import lax
from jax.experimental import pallas as pl
from jax.experimental.pallas import tpu as pltpu
from jax.experimental.pallas import tpu_sc as plsc

_BK = 32768
_NSLOTS = 3


def _blk(j, bk, nblk, last_bk):
    pass


def _argmax_body(q_ref, db_hbm, tail_ref, idx_out_ref, buf_ref, bv_ref,
                 bi_ref, sem, *, bk, k_total, nblk, last_bk, tail):
    i = pl.program_id(0)
    nsteps = nblk + 1

    def start_copy(j, slot):
        @pl.when(j < nblk - 1)
        def _full():
            pltpu.make_async_copy(
                db_hbm.at[:, pl.ds(j * bk, bk)], buf_ref.at[slot],
                sem.at[slot]).start()

        @pl.when(j == nblk - 1)
        def _last():
            pltpu.make_async_copy(
                db_hbm.at[:, pl.ds(j * bk, last_bk)],
                buf_ref.at[slot, :, pl.ds(0, last_bk)], sem.at[slot]).start()

    def wait_copy(j, slot):
        @pl.when(j < nblk - 1)
        def _full():
            pltpu.make_async_copy(
                db_hbm.at[:, pl.ds(j * bk, bk)], buf_ref.at[slot],
                sem.at[slot]).wait()

        @pl.when(j == nblk - 1)
        def _last():
            pltpu.make_async_copy(
                db_hbm.at[:, pl.ds(j * bk, last_bk)],
                buf_ref.at[slot, :, pl.ds(0, last_bk)], sem.at[slot]).wait()

    @pl.when(i == 0)
    def _init():
        for j in range(min(_NSLOTS - 1, nblk)):
            start_copy(jnp.int32(j), jnp.int32(j))
        bv_ref[...] = jnp.full_like(bv_ref, -jnp.inf)
        bi_ref[...] = jnp.zeros_like(bi_ref)

    nxt = i + _NSLOTS - 1
    @pl.when(nxt < nblk)
    def _prefetch():
        start_copy(nxt, lax.rem(nxt, _NSLOTS))

    def _update(sim, base):
        m = jnp.max(sim, axis=1, keepdims=True)
        bv = bv_ref[...]
        better = m > bv

        @pl.when(jnp.any(better))
        def _():
            iota = lax.broadcasted_iota(jnp.int32, sim.shape, 1)
            li = jnp.min(jnp.where(sim == m, iota, k_total), axis=1,
                         keepdims=True)
            bi_ref[...] = jnp.where(better, base + li, bi_ref[...])
            bv_ref[...] = jnp.where(better, m, bv)

    slot = lax.rem(i, _NSLOTS)

    @pl.when(i < nblk - 1)
    def _main():
        wait_copy(i, slot)
        sim = lax.dot_general(
            q_ref[...], buf_ref[slot],
            (((1,), (0,)), ((), ())),
            preferred_element_type=jnp.float32,
        )
        _update(sim, i * bk)

    @pl.when(i == nblk - 1)
    def _lastblk():
        wait_copy(i, slot)
        sim = lax.dot_general(
            q_ref[...], buf_ref[slot, :, pl.ds(0, last_bk)],
            (((1,), (0,)), ((), ())),
            preferred_element_type=jnp.float32,
        )
        _update(sim, i * bk)

    @pl.when(i == nsteps - 1)
    def _tail():
        sim = lax.dot_general(
            q_ref[...], tail_ref[...],
            (((1,), (0,)), ((), ())),
            preferred_element_type=jnp.float32,
        )
        _update(sim, (nblk - 1) * bk + last_bk)
        idx_out_ref[...] = jnp.reshape(bi_ref[...], idx_out_ref.shape)


def _tc_argmax(q, dbt, bk, interpret=False):
    d, k_total = dbt.shape
    nq = q.shape[0]
    lanes = 128
    aligned = (k_total // lanes) * lanes
    nblk = max(1, (aligned + bk - 1) // bk)
    last_bk = aligned - (nblk - 1) * bk
    tail = k_total - aligned
    if tail == 0:
        aligned -= bk if nblk > 1 else 0
        if nblk > 1:
            nblk -= 1
            tail = k_total - aligned
            last_bk = aligned - (nblk - 1) * bk
        else:
            raise ValueError("k_total too small for this kernel")
    tail_arr = lax.slice(dbt, (0, aligned), (d, k_total))
    return pl.pallas_call(
        functools.partial(_argmax_body, bk=bk, k_total=k_total, nblk=nblk,
                          last_bk=last_bk, tail=tail),
        grid=(nblk + 1,),
        in_specs=[
            pl.BlockSpec((nq, d), lambda i: (0, 0)),
            pl.BlockSpec(memory_space=pltpu.MemorySpace.HBM),
            pl.BlockSpec((d, tail), lambda i: (0, 0)),
        ],
        out_specs=pl.BlockSpec((nq,), lambda i: (0,)),
        out_shape=jax.ShapeDtypeStruct((nq,), jnp.int32),
        scratch_shapes=[
            pltpu.VMEM((_NSLOTS, d, bk), jnp.float32),
            pltpu.VMEM((nq, 1), jnp.float32),
            pltpu.VMEM((nq, 1), jnp.int32),
            pltpu.SemaphoreType.DMA((_NSLOTS,)),
        ],
        compiler_params=pltpu.CompilerParams(
            dimension_semantics=("arbitrary",),
        ),
        interpret=interpret,
    )(q, dbt, tail_arr)


def _sc_gather(idx, cat, shp):
    n = idx.shape[0]
    mesh = plsc.VectorSubcoreMesh(core_axis_name="c", subcore_axis_name="s")

    @functools.partial(
        pl.kernel,
        mesh=mesh,
        out_type=[
            jax.ShapeDtypeStruct((n,), jnp.int32),
            jax.ShapeDtypeStruct((n,), jnp.int32),
        ],
        scratch_types=[
            pltpu.VMEM((n,), jnp.int32),
            pltpu.VMEM((n,), jnp.int32),
            pltpu.SemaphoreType.DMA,
        ],
    )
    def gather_kernel(idx_hbm, cat_hbm, shp_hbm, cat_out, shp_out, idx_v,
                      val_v, sem):
        c = lax.axis_index("c")
        s = lax.axis_index("s")
        wid = s * 2 + c

        @pl.when(wid == 0)
        def _cat():
            pltpu.sync_copy(idx_hbm, idx_v)
            pltpu.async_copy(cat_hbm.at[idx_v], val_v, sem).wait()
            pltpu.sync_copy(val_v, cat_out)

        @pl.when(wid == 1)
        def _shp():
            pltpu.sync_copy(idx_hbm, idx_v)
            pltpu.async_copy(shp_hbm.at[idx_v], val_v, sem).wait()
            pltpu.sync_copy(val_v, shp_out)

    return gather_kernel(idx, cat, shp)


def kernel(shape_embedding, db_embedding, category_idx, shape_idx):
    idx = _tc_argmax(shape_embedding, db_embedding.T, _BK)
    cat, shp = _sc_gather(idx, category_idx, shape_idx)
    return cat, shp

# --- scband reference (transcript-rebuilt; emitter-appended) ---
"""Pipeline reference for scband-shape-retrieval-19585050869761 (READ-ONLY COPY).

The authoritative reference and input builder live on the scoring server;
editing this copy changes nothing except your own understanding.
"""

import jax, jax.numpy as jnp
import numpy as np

Q, K, D = 32, 1000000, 64
NUM_CATEGORIES = 55

def setup_inputs(seed: int = 0) -> dict:
    key = jax.random.key(seed)
    k1, k2, k3, k4 = jax.random.split(key, 4)
    shape_embedding = jax.random.normal(k1, (Q, D), dtype=jnp.float32)
    db = jax.random.normal(k2, (K, D), dtype=jnp.float32)
    # The torch module stores F.normalize(cat(encoder outputs), dim=-1) in __init__
    db = db / jnp.clip(jnp.linalg.norm(db, axis=-1, keepdims=True), 1e-12)
    category_idx = jax.random.randint(k3, (K,), 0, NUM_CATEGORIES, dtype=jnp.int32)
    shape_idx = jax.random.randint(k4, (K,), 0, K, dtype=jnp.int32)
    return {
        "shape_embedding": shape_embedding,
        "db_embedding": db,
        "category_idx": category_idx,
        "shape_idx": shape_idx,
    }

def reference(shape_embedding, db_embedding, category_idx, shape_idx):
    # F.normalize(shape_embedding, dim=-1)
    q = shape_embedding / jnp.clip(jnp.linalg.norm(shape_embedding, axis=-1, keepdims=True), 1e-12)
    # cosine similarity against the stored (already normalized) database embeddings
    sim = q @ db_embedding.T
    idx = jnp.argmax(sim, axis=-1)
    return (jnp.take(category_idx, idx, axis=0), jnp.take(shape_idx, idx, axis=0))

if __name__ == "__main__":
    import jax
    _d = setup_inputs()
    print(jax.jit(kernel)(*tuple(_d.values())))

</pallas_src>

<mosaic_0001>
#map = affine_map<(d0, d1) -> (0)>
module attributes {stable_mosaic.version = 14 : i64} {
  func.func @gather_kernel(%arg0: i32, %arg1: i32, %arg2: memref<32xi32, #tpu.memory_space<hbm>>, %arg3: memref<1000000xi32, #tpu.memory_space<hbm>>, %arg4: memref<1000000xi32, #tpu.memory_space<hbm>>, %arg5: memref<32xi32, #tpu.memory_space<hbm>>, %arg6: memref<32xi32, #tpu.memory_space<hbm>>, %arg7: memref<32xi32, #tpu.memory_space<vmem>>, %arg8: memref<32xi32, #tpu.memory_space<vmem>>, %arg9: memref<!tpu.dma_semaphore, #tpu.memory_space<semaphore_mem>>) attributes {dimension_semantics = [#tpu.dimension_semantics<core_parallel>, #tpu.dimension_semantics<subcore_parallel>], iteration_bounds = array<i64: 2, 16>, scalar_prefetch = 0 : i64, scratch_operands = 3 : i64, tpu.core_type = #tpu.core_type<sc_vector_subcore>, window_params = [{transform_indices = #map}, {transform_indices = #map}, {transform_indices = #map}, {transform_indices = #map}, {transform_indices = #map}]} {
    %mul3A = arith.constant 2 : i32
    %mul3A_0 = arith.muli %arg1, %mul3A : i32
    %add3A = arith.addi %mul3A_0, %arg0 : i32
    %eq3A = arith.constant 0 : i32
    %eq3A_1 = arith.cmpi eq, %add3A, %eq3A : i32
    %convert_element_type3A = arith.extui %eq3A_1 : i1 to i32
    %cond3A = arith.constant 0 : i32
    %cond3A_2 = arith.cmpi ne, %convert_element_type3A, %cond3A : i32
    scf.if %cond3A_2 {
      "tpu.region"() ({
        %run_scoped3A = tpu.sem_alloc : memref<!tpu.dma_semaphore, #tpu.memory_space<semaphore_mem>>
        tpu.enqueue_dma source(%arg2 : memref<32xi32, #tpu.memory_space<hbm>>) target(%arg7 : memref<32xi32, #tpu.memory_space<vmem>>) target_semaphore(%run_scoped3A : memref<!tpu.dma_semaphore, #tpu.memory_space<semaphore_mem>>)
        tpu.wait_dma2 semaphore(%run_scoped3A : memref<!tpu.dma_semaphore, #tpu.memory_space<semaphore_mem>>) src(%arg2 : memref<32xi32, #tpu.memory_space<hbm>>) dst(%arg7 : memref<32xi32, #tpu.memory_space<vmem>>)
        tpu.yield
      }) : () -> ()
      %dma_start3A = arith.constant 0 : i32
      %dma_start3A_8 = tpu.memref_slice %arg3[%dma_start3A] : memref<1000000xi32, #tpu.memory_space<hbm>> -> memref<1000000xi32, #tpu.memory_space<hbm>>
      tpu.enqueue_indirect_dma source(%dma_start3A_8 : memref<1000000xi32, #tpu.memory_space<hbm>>) target(%arg8 : memref<32xi32, #tpu.memory_space<vmem>>) offsets(%arg7 : memref<32xi32, #tpu.memory_space<vmem>>) semaphore(%arg9 : memref<!tpu.dma_semaphore, #tpu.memory_space<semaphore_mem>>)
      %dma_wait3A = arith.constant 0 : i32
      %dma_wait3A_9 = tpu.memref_slice %arg3[%dma_wait3A] : memref<1000000xi32, #tpu.memory_space<hbm>> -> memref<1000000xi32, #tpu.memory_space<hbm>>
      tpu.wait_indirect_dma semaphore(%arg9 : memref<!tpu.dma_semaphore, #tpu.memory_space<semaphore_mem>>) src(%dma_wait3A_9 : memref<1000000xi32, #tpu.memory_space<hbm>>) dst(%arg8 : memref<32xi32, #tpu.memory_space<vmem>>)
      "tpu.region"() ({
        %run_scoped3A = tpu.sem_alloc : memref<!tpu.dma_semaphore, #tpu.memory_space<semaphore_mem>>
        tpu.enqueue_dma source(%arg8 : memref<32xi32, #tpu.memory_space<vmem>>) target(%arg5 : memref<32xi32, #tpu.memory_space<hbm>>) target_semaphore(%run_scoped3A : memref<!tpu.dma_semaphore, #tpu.memory_space<semaphore_mem>>)
        tpu.wait_dma2 semaphore(%run_scoped3A : memref<!tpu.dma_semaphore, #tpu.memory_space<semaphore_mem>>) src(%arg8 : memref<32xi32, #tpu.memory_space<vmem>>) dst(%arg5 : memref<32xi32, #tpu.memory_space<hbm>>)
        tpu.yield
      }) : () -> ()
    } else {
    }
    %eq3A_3 = arith.constant 1 : i32
    %eq3A_4 = arith.cmpi eq, %add3A, %eq3A_3 : i32
    %convert_element_type3A_5 = arith.extui %eq3A_4 : i1 to i32
    %cond3A_6 = arith.constant 0 : i32
    %cond3A_7 = arith.cmpi ne, %convert_element_type3A_5, %cond3A_6 : i32
    scf.if %cond3A_7 {
      "tpu.region"() ({
        %run_scoped3A = tpu.sem_alloc : memref<!tpu.dma_semaphore, #tpu.memory_space<semaphore_mem>>
        tpu.enqueue_dma source(%arg2 : memref<32xi32, #tpu.memory_space<hbm>>) target(%arg7 : memref<32xi32, #tpu.memory_space<vmem>>) target_semaphore(%run_scoped3A : memref<!tpu.dma_semaphore, #tpu.memory_space<semaphore_mem>>)
        tpu.wait_dma2 semaphore(%run_scoped3A : memref<!tpu.dma_semaphore, #tpu.memory_space<semaphore_mem>>) src(%arg2 : memref<32xi32, #tpu.memory_space<hbm>>) dst(%arg7 : memref<32xi32, #tpu.memory_space<vmem>>)
        tpu.yield
      }) : () -> ()
      %dma_start3A = arith.constant 0 : i32
      %dma_start3A_8 = tpu.memref_slice %arg4[%dma_start3A] : memref<1000000xi32, #tpu.memory_space<hbm>> -> memref<1000000xi32, #tpu.memory_space<hbm>>
      tpu.enqueue_indirect_dma source(%dma_start3A_8 : memref<1000000xi32, #tpu.memory_space<hbm>>) target(%arg8 : memref<32xi32, #tpu.memory_space<vmem>>) offsets(%arg7 : memref<32xi32, #tpu.memory_space<vmem>>) semaphore(%arg9 : memref<!tpu.dma_semaphore, #tpu.memory_space<semaphore_mem>>)
      %dma_wait3A = arith.constant 0 : i32
      %dma_wait3A_9 = tpu.memref_slice %arg4[%dma_wait3A] : memref<1000000xi32, #tpu.memory_space<hbm>> -> memref<1000000xi32, #tpu.memory_space<hbm>>
      tpu.wait_indirect_dma semaphore(%arg9 : memref<!tpu.dma_semaphore, #tpu.memory_space<semaphore_mem>>) src(%dma_wait3A_9 : memref<1000000xi32, #tpu.memory_space<hbm>>) dst(%arg8 : memref<32xi32, #tpu.memory_space<vmem>>)
      "tpu.region"() ({
        %run_scoped3A = tpu.sem_alloc : memref<!tpu.dma_semaphore, #tpu.memory_space<semaphore_mem>>
        tpu.enqueue_dma source(%arg8 : memref<32xi32, #tpu.memory_space<vmem>>) target(%arg6 : memref<32xi32, #tpu.memory_space<hbm>>) target_semaphore(%run_scoped3A : memref<!tpu.dma_semaphore, #tpu.memory_space<semaphore_mem>>)
        tpu.wait_dma2 semaphore(%run_scoped3A : memref<!tpu.dma_semaphore, #tpu.memory_space<semaphore_mem>>) src(%arg8 : memref<32xi32, #tpu.memory_space<vmem>>) dst(%arg6 : memref<32xi32, #tpu.memory_space<hbm>>)
        tpu.yield
      }) : () -> ()
    } else {
    }
    return
  }
}

module attributes {stable_mosaic.version = 14 : i64} {
  func.func @_argmax_body(%arg0: i32, %arg1: memref<32x64xf32, #tpu.memory_space<vmem>>, %arg2: memref<64x1000000xf32, #tpu.memory_space<hbm>>, %arg3: memref<64x64xf32, #tpu.memory_space<vmem>>, %arg4: memref<32xi32, #tpu.memory_space<vmem>>, %arg5: memref<3x64x32768xf32, #tpu.memory_space<vmem>>, %arg6: memref<32x1xf32, #tpu.memory_space<vmem>>, %arg7: memref<32x1xi32, #tpu.memory_space<vmem>>, %arg8: memref<3x!tpu.dma_semaphore, #tpu.memory_space<semaphore_mem>>) attributes {dimension_semantics = [#tpu.dimension_semantics<arbitrary>], iteration_bounds = array<i64: 32>, scalar_prefetch = 0 : i64, scratch_operands = 4 : i64, tpu.core_type = #tpu.core_type<tc>, window_params = [{pipeline_mode = #tpu.pipeline_mode<synchronous>, transform_indices = @transform_0, window_bounds = array<i64: 32, 64>}, {}, {pipeline_mode = #tpu.pipeline_mode<synchronous>, transform_indices = @transform_2, window_bounds = array<i64: 64, 64>}, {pipeline_mode = #tpu.pipeline_mode<synchronous>, transform_indices = @transform_3, window_bounds = array<i64: 32>}]} {
    %eq3A = arith.constant 0 : i32
    %eq3A_0 = arith.cmpi eq, %arg0, %eq3A : i32
    %convert_element_type3A = arith.extui %eq3A_0 : i1 to i32
    %cond3A = arith.constant 0 : i32
    %cond3A_1 = arith.cmpi ne, %convert_element_type3A, %cond3A : i32
    scf.if %cond3A_1 {
      %lt3A_24 = arith.constant 0 : i32
      %lt3A_25 = arith.constant 30 : i32
      %lt3A_26 = arith.cmpi slt, %lt3A_24, %lt3A_25 : i32
      %convert_element_type3A_27 = arith.extui %lt3A_26 : i1 to i32
      %cond3A_28 = arith.constant 0 : i32
      %cond3A_29 = arith.constant 0 : i32
      %cond3A_30 = arith.constant 0 : i32
      %cond3A_31 = arith.cmpi ne, %convert_element_type3A_27, %cond3A_30 : i32
      scf.if %cond3A_31 {
        %mul3A = arith.constant 32768 : i32
        %mul3A_64 = arith.muli %cond3A_28, %mul3A : i32
        %dma_start3A = tpu.memref_slice %arg8[%cond3A_29] : memref<3x!tpu.dma_semaphore, #tpu.memory_space<semaphore_mem>> -> memref<1x!tpu.dma_semaphore, #tpu.memory_space<semaphore_mem>>
        %dma_start3A_65 = tpu.memref_squeeze %dma_start3A : memref<1x!tpu.dma_semaphore, #tpu.memory_space<semaphore_mem>> -> memref<!tpu.dma_semaphore, #tpu.memory_space<semaphore_mem>>
        %dma_start3A_66 = arith.constant 0 : i32
        %dma_start3A_67 = arith.constant 0 : i32
        %dma_start3A_68 = tpu.memref_slice %arg5[%cond3A_29, %dma_start3A_66, %dma_start3A_67] : memref<3x64x32768xf32, #tpu.memory_space<vmem>> -> memref<1x64x32768xf32, #tpu.memory_space<vmem>>
        %dma_start3A_69 = tpu.memref_squeeze %dma_start3A_68 : memref<1x64x32768xf32, #tpu.memory_space<vmem>> -> memref<64x32768xf32, #tpu.memory_space<vmem>>
        %dma_start3A_70 = arith.constant 0 : i32
        %dma_start3A_71 = tpu.memref_slice %arg2[%dma_start3A_70, %mul3A_64] : memref<64x1000000xf32, #tpu.memory_space<hbm>> -> memref<64x32768xf32, #tpu.memory_space<hbm>>
        tpu.enqueue_dma source(%dma_start3A_71 : memref<64x32768xf32, #tpu.memory_space<hbm>>) target(%dma_start3A_69 : memref<64x32768xf32, #tpu.memory_space<vmem>>) target_semaphore(%dma_start3A_65 : memref<!tpu.dma_semaphore, #tpu.memory_space<semaphore_mem>>)
      } else {
      }
      %eq3A_32 = arith.constant 0 : i32
      %eq3A_33 = arith.constant 30 : i32
      %eq3A_34 = arith.cmpi eq, %eq3A_32, %eq3A_33 : i32
      %convert_element_type3A_35 = arith.extui %eq3A_34 : i1 to i32
      %cond3A_36 = arith.constant 0 : i32
      %cond3A_37 = arith.constant 0 : i32
      %cond3A_38 = arith.constant 0 : i32
      %cond3A_39 = arith.cmpi ne, %convert_element_type3A_35, %cond3A_38 : i32
      scf.if %cond3A_39 {
        %mul3A = arith.constant 32768 : i32
        %mul3A_64 = arith.muli %cond3A_36, %mul3A : i32
        %dma_start3A = tpu.memref_slice %arg8[%cond3A_37] : memref<3x!tpu.dma_semaphore, #tpu.memory_space<semaphore_mem>> -> memref<1x!tpu.dma_semaphore, #tpu.memory_space<semaphore_mem>>
        %dma_start3A_65 = tpu.memref_squeeze %dma_start3A : memref<1x!tpu.dma_semaphore, #tpu.memory_space<semaphore_mem>> -> memref<!tpu.dma_semaphore, #tpu.memory_space<semaphore_mem>>
        %dma_start3A_66 = arith.constant 0 : i32
        %dma_start3A_67 = arith.constant 0 : i32
        %dma_start3A_68 = tpu.memref_slice %arg5[%cond3A_37, %dma_start3A_66, %dma_start3A_67] : memref<3x64x32768xf32, #tpu.memory_space<vmem>> -> memref<1x64x16896xf32, #tpu.memory_space<vmem>>
        %dma_start3A_69 = tpu.memref_squeeze %dma_start3A_68 : memref<1x64x16896xf32, #tpu.memory_space<vmem>> -> memref<64x16896xf32, #tpu.memory_space<vmem>>
        %dma_start3A_70 = arith.constant 0 : i32
        %dma_start3A_71 = tpu.memref_slice %arg2[%dma_start3A_70, %mul3A_64] : memref<64x1000000xf32, #tpu.memory_space<hbm>> -> memref<64x16896xf32, #tpu.memory_space<hbm>>
        tpu.enqueue_dma source(%dma_start3A_71 : memref<64x16896xf32, #tpu.memory_space<hbm>>) target(%dma_start3A_69 : memref<64x16896xf32, #tpu.memory_space<vmem>>) target_semaphore(%dma_start3A_65 : memref<!tpu.dma_semaphore, #tpu.memory_space<semaphore_mem>>)
      } else {
      }
      %lt3A_40 = arith.constant 1 : i32
      %lt3A_41 = arith.constant 30 : i32
      %lt3A_42 = arith.cmpi slt, %lt3A_40, %lt3A_41 : i32
      %convert_element_type3A_43 = arith.extui %lt3A_42 : i1 to i32
      %cond3A_44 = arith.constant 1 : i32
      %cond3A_45 = arith.constant 1 : i32
      %cond3A_46 = arith.constant 0 : i32
      %cond3A_47 = arith.cmpi ne, %convert_element_type3A_43, %cond3A_46 : i32
      scf.if %cond3A_47 {
        %mul3A = arith.constant 32768 : i32
        %mul3A_64 = arith.muli %cond3A_44, %mul3A : i32
        %dma_start3A = tpu.memref_slice %arg8[%cond3A_45] : memref<3x!tpu.dma_semaphore, #tpu.memory_space<semaphore_mem>> -> memref<1x!tpu.dma_semaphore, #tpu.memory_space<semaphore_mem>>
        %dma_start3A_65 = tpu.memref_squeeze %dma_start3A : memref<1x!tpu.dma_semaphore, #tpu.memory_space<semaphore_mem>> -> memref<!tpu.dma_semaphore, #tpu.memory_space<semaphore_mem>>
        %dma_start3A_66 = arith.constant 0 : i32
        %dma_start3A_67 = arith.constant 0 : i32
        %dma_start3A_68 = tpu.memref_slice %arg5[%cond3A_45, %dma_start3A_66, %dma_start3A_67] : memref<3x64x32768xf32, #tpu.memory_space<vmem>> -> memref<1x64x32768xf32, #tpu.memory_space<vmem>>
        %dma_start3A_69 = tpu.memref_squeeze %dma_start3A_68 : memref<1x64x32768xf32, #tpu.memory_space<vmem>> -> memref<64x32768xf32, #tpu.memory_space<vmem>>
        %dma_start3A_70 = arith.constant 0 : i32
        %dma_start3A_71 = tpu.memref_slice %arg2[%dma_start3A_70, %mul3A_64] : memref<64x1000000xf32, #tpu.memory_space<hbm>> -> memref<64x32768xf32, #tpu.memory_space<hbm>>
        tpu.enqueue_dma source(%dma_start3A_71 : memref<64x32768xf32, #tpu.memory_space<hbm>>) target(%dma_start3A_69 : memref<64x32768xf32, #tpu.memory_space<vmem>>) target_semaphore(%dma_start3A_65 : memref<!tpu.dma_semaphore, #tpu.memory_space<semaphore_mem>>)
      } else {
      }
      %eq3A_48 = arith.constant 1 : i32
      %eq3A_49 = arith.constant 30 : i32
      %eq3A_50 = arith.cmpi eq, %eq3A_48, %eq3A_49 : i32
      %convert_element_type3A_51 = arith.extui %eq3A_50 : i1 to i32
      %cond3A_52 = arith.constant 1 : i32
      %cond3A_53 = arith.constant 1 : i32
      %cond3A_54 = arith.constant 0 : i32
      %cond3A_55 = arith.cmpi ne, %convert_element_type3A_51, %cond3A_54 : i32
      scf.if %cond3A_55 {
        %mul3A = arith.constant 32768 : i32
        %mul3A_64 = arith.muli %cond3A_52, %mul3A : i32
        %dma_start3A = tpu.memref_slice %arg8[%cond3A_53] : memref<3x!tpu.dma_semaphore, #tpu.memory_space<semaphore_mem>> -> memref<1x!tpu.dma_semaphore, #tpu.memory_space<semaphore_mem>>
        %dma_start3A_65 = tpu.memref_squeeze %dma_start3A : memref<1x!tpu.dma_semaphore, #tpu.memory_space<semaphore_mem>> -> memref<!tpu.dma_semaphore, #tpu.memory_space<semaphore_mem>>
        %dma_start3A_66 = arith.constant 0 : i32
        %dma_start3A_67 = arith.constant 0 : i32
        %dma_start3A_68 = tpu.memref_slice %arg5[%cond3A_53, %dma_start3A_66, %dma_start3A_67] : memref<3x64x32768xf32, #tpu.memory_space<vmem>> -> memref<1x64x16896xf32, #tpu.memory_space<vmem>>
        %dma_start3A_69 = tpu.memref_squeeze %dma_start3A_68 : memref<1x64x16896xf32, #tpu.memory_space<vmem>> -> memref<64x16896xf32, #tpu.memory_space<vmem>>
        %dma_start3A_70 = arith.constant 0 : i32
        %dma_start3A_71 = tpu.memref_slice %arg2[%dma_start3A_70, %mul3A_64] : memref<64x1000000xf32, #tpu.memory_space<hbm>> -> memref<64x16896xf32, #tpu.memory_space<hbm>>
        tpu.enqueue_dma source(%dma_start3A_71 : memref<64x16896xf32, #tpu.memory_space<hbm>>) target(%dma_start3A_69 : memref<64x16896xf32, #tpu.memory_space<vmem>>) target_semaphore(%dma_start3A_65 : memref<!tpu.dma_semaphore, #tpu.memory_space<semaphore_mem>>)
      } else {
      }
      %broadcast_in_dim3A = arith.constant 0xFF800000 : f32
      %broadcast_in_dim3A_56 = vector.broadcast %broadcast_in_dim3A : f32 to vector<32x1xf32>
      %swap3A = arith.constant 0 : index
      %swap3A_57 = arith.constant 0 : index
      %swap3A_58 = vector.load %arg6[%swap3A, %swap3A_57] : memref<32x1xf32, #tpu.memory_space<vmem>>, vector<32x1xf32>
      tpu.vector_store %arg6[%swap3A, %swap3A_57], %broadcast_in_dim3A_56 {strides = array<i32>} : memref<32x1xf32, #tpu.memory_space<vmem>>, vector<32x1xf32>,
      %broadcast_in_dim3A_59 = arith.constant 0 : i32
      %broadcast_in_dim3A_60 = vector.broadcast %broadcast_in_dim3A_59 : i32 to vector<32x1xi32>
      %swap3A_61 = arith.constant 0 : index
      %swap3A_62 = arith.constant 0 : index
      %swap3A_63 = vector.load %arg7[%swap3A_61, %swap3A_62] : memref<32x1xi32, #tpu.memory_space<vmem>>, vector<32x1xi32>
      tpu.vector_store %arg7[%swap3A_61, %swap3A_62], %broadcast_in_dim3A_60 {strides = array<i32>} : memref<32x1xi32, #tpu.memory_space<vmem>>, vector<32x1xi32>,
    } else {
    }
    %add3A = arith.constant 3 : i32
    %add3A_2 = arith.addi %arg0, %add3A : i32
    %sub3A = arith.constant 1 : i32
    %sub3A_3 = arith.subi %add3A_2, %sub3A : i32
    %lt3A = arith.constant 31 : i32
    %lt3A_4 = arith.cmpi slt, %sub3A_3, %lt3A : i32
    %convert_element_type3A_5 = arith.extui %lt3A_4 : i1 to i32
    %cond3A_6 = arith.constant 0 : i32
    %cond3A_7 = arith.cmpi ne, %convert_element_type3A_5, %cond3A_6 : i32
    scf.if %cond3A_7 {
      %rem3A_24 = arith.constant 3 : i32
      %rem3A_25 = arith.remsi %sub3A_3, %rem3A_24 : i32
      %lt3A_26 = arith.constant 30 : i32
      %lt3A_27 = arith.cmpi slt, %sub3A_3, %lt3A_26 : i32
      %convert_element_type3A_28 = arith.extui %lt3A_27 : i1 to i32
      %cond3A_29 = arith.constant 0 : i32
      %cond3A_30 = arith.cmpi ne, %convert_element_type3A_28, %cond3A_29 : i32
      scf.if %cond3A_30 {
        %mul3A = arith.constant 32768 : i32
        %mul3A_36 = arith.muli %sub3A_3, %mul3A : i32
        %dma_start3A = tpu.memref_slice %arg8[%rem3A_25] : memref<3x!tpu.dma_semaphore, #tpu.memory_space<semaphore_mem>> -> memref<1x!tpu.dma_semaphore, #tpu.memory_space<semaphore_mem>>
        %dma_start3A_37 = tpu.memref_squeeze %dma_start3A : memref<1x!tpu.dma_semaphore, #tpu.memory_space<semaphore_mem>> -> memref<!tpu.dma_semaphore, #tpu.memory_space<semaphore_mem>>
        %dma_start3A_38 = arith.constant 0 : i32
        %dma_start3A_39 = arith.constant 0 : i32
        %dma_start3A_40 = tpu.memref_slice %arg5[%rem3A_25, %dma_start3A_38, %dma_start3A_39] : memref<3x64x32768xf32, #tpu.memory_space<vmem>> -> memref<1x64x32768xf32, #tpu.memory_space<vmem>>
        %dma_start3A_41 = tpu.memref_squeeze %dma_start3A_40 : memref<1x64x32768xf32, #tpu.memory_space<vmem>> -> memref<64x32768xf32, #tpu.memory_space<vmem>>
        %dma_start3A_42 = arith.constant 0 : i32
        %dma_start3A_43 = tpu.memref_slice %arg2[%dma_start3A_42, %mul3A_36] : memref<64x1000000xf32, #tpu.memory_space<hbm>> -> memref<64x32768xf32, #tpu.memory_space<hbm>>
        tpu.enqueue_dma source(%dma_start3A_43 : memref<64x32768xf32, #tpu.memory_space<hbm>>) target(%dma_start3A_41 : memref<64x32768xf32, #tpu.memory_space<vmem>>) target_semaphore(%dma_start3A_37 : memref<!tpu.dma_semaphore, #tpu.memory_space<semaphore_mem>>)
      } else {
      }
      %eq3A_31 = arith.constant 30 : i32
      %eq3A_32 = arith.cmpi eq, %sub3A_3, %eq3A_31 : i32
      %convert_element_type3A_33 = arith.extui %eq3A_32 : i1 to i32
      %cond3A_34 = arith.constant 0 : i32
      %cond3A_35 = arith.cmpi ne, %convert_element_type3A_33, %cond3A_34 : i32
      scf.if %cond3A_35 {
        %mul3A = arith.constant 32768 : i32
        %mul3A_36 = arith.muli %sub3A_3, %mul3A : i32
        %dma_start3A = tpu.memref_slice %arg8[%rem3A_25] : memref<3x!tpu.dma_semaphore, #tpu.memory_space<semaphore_mem>> -> memref<1x!tpu.dma_semaphore, #tpu.memory_space<semaphore_mem>>
        %dma_start3A_37 = tpu.memref_squeeze %dma_start3A : memref<1x!tpu.dma_semaphore, #tpu.memory_space<semaphore_mem>> -> memref<!tpu.dma_semaphore, #tpu.memory_space<semaphore_mem>>
        %dma_start3A_38 = arith.constant 0 : i32
        %dma_start3A_39 = arith.constant 0 : i32
        %dma_start3A_40 = tpu.memref_slice %arg5[%rem3A_25, %dma_start3A_38, %dma_start3A_39] : memref<3x64x32768xf32, #tpu.memory_space<vmem>> -> memref<1x64x16896xf32, #tpu.memory_space<vmem>>
        %dma_start3A_41 = tpu.memref_squeeze %dma_start3A_40 : memref<1x64x16896xf32, #tpu.memory_space<vmem>> -> memref<64x16896xf32, #tpu.memory_space<vmem>>
        %dma_start3A_42 = arith.constant 0 : i32
        %dma_start3A_43 = tpu.memref_slice %arg2[%dma_start3A_42, %mul3A_36] : memref<64x1000000xf32, #tpu.memory_space<hbm>> -> memref<64x16896xf32, #tpu.memory_space<hbm>>
        tpu.enqueue_dma source(%dma_start3A_43 : memref<64x16896xf32, #tpu.memory_space<hbm>>) target(%dma_start3A_41 : memref<64x16896xf32, #tpu.memory_space<vmem>>) target_semaphore(%dma_start3A_37 : memref<!tpu.dma_semaphore, #tpu.memory_space<semaphore_mem>>)
      } else {
      }
    } else {
    }
    %rem3A = arith.constant 3 : i32
    %rem3A_8 = arith.remsi %arg0, %rem3A : i32
    %lt3A_9 = arith.constant 30 : i32
    %lt3A_10 = arith.cmpi slt, %arg0, %lt3A_9 : i32
    %convert_element_type3A_11 = arith.extui %lt3A_10 : i1 to i32
    %cond3A_12 = arith.constant 0 : i32
    %cond3A_13 = arith.cmpi ne, %convert_element_type3A_11, %cond3A_12 : i32
    scf.if %cond3A_13 {
      %lt3A_24 = arith.constant 30 : i32
      %lt3A_25 = arith.cmpi slt, %arg0, %lt3A_24 : i32
      %convert_element_type3A_26 = arith.extui %lt3A_25 : i1 to i32
      %cond3A_27 = arith.constant 0 : i32
      %cond3A_28 = arith.cmpi ne, %convert_element_type3A_26, %cond3A_27 : i32
      scf.if %cond3A_28 {
        %mul3A_61 = arith.constant 32768 : i32
        %mul3A_62 = arith.muli %arg0, %mul3A_61 : i32
        %dma_wait3A = tpu.memref_slice %arg8[%rem3A_8] : memref<3x!tpu.dma_semaphore, #tpu.memory_space<semaphore_mem>> -> memref<1x!tpu.dma_semaphore, #tpu.memory_space<semaphore_mem>>
        %dma_wait3A_63 = tpu.memref_squeeze %dma_wait3A : memref<1x!tpu.dma_semaphore, #tpu.memory_space<semaphore_mem>> -> memref<!tpu.dma_semaphore, #tpu.memory_space<semaphore_mem>>
        %dma_wait3A_64 = arith.constant 0 : i32
        %dma_wait3A_65 = arith.constant 0 : i32
        %dma_wait3A_66 = tpu.memref_slice %arg5[%rem3A_8, %dma_wait3A_64, %dma_wait3A_65] : memref<3x64x32768xf32, #tpu.memory_space<vmem>> -> memref<1x64x32768xf32, #tpu.memory_space<vmem>>
        %dma_wait3A_67 = tpu.memref_squeeze %dma_wait3A_66 : memref<1x64x32768xf32, #tpu.memory_space<vmem>> -> memref<64x32768xf32, #tpu.memory_space<vmem>>
        %dma_wait3A_68 = arith.constant 0 : i32
        %dma_wait3A_69 = tpu.memref_slice %arg2[%dma_wait3A_68, %mul3A_62] : memref<64x1000000xf32, #tpu.memory_space<hbm>> -> memref<64x32768xf32, #tpu.memory_space<hbm>>
        tpu.wait_dma2 semaphore(%dma_wait3A_63 : memref<!tpu.dma_semaphore, #tpu.memory_space<semaphore_mem>>) src(%dma_wait3A_69 : memref<64x32768xf32, #tpu.memory_space<hbm>>) dst(%dma_wait3A_67 : memref<64x32768xf32, #tpu.memory_space<vmem>>)
      } else {
      }
      %eq3A_29 = arith.constant 30 : i32
      %eq3A_30 = arith.cmpi eq, %arg0, %eq3A_29 : i32
      %convert_element_type3A_31 = arith.extui %eq3A_30 : i1 to i32
      %cond3A_32 = arith.constant 0 : i32
      %cond3A_33 = arith.cmpi ne, %convert_element_type3A_31, %cond3A_32 : i32
      scf.if %cond3A_33 {
        %mul3A_61 = arith.constant 32768 : i32
        %mul3A_62 = arith.muli %arg0, %mul3A_61 : i32
        %dma_wait3A = tpu.memref_slice %arg8[%rem3A_8] : memref<3x!tpu.dma_semaphore, #tpu.memory_space<semaphore_mem>> -> memref<1x!tpu.dma_semaphore, #tpu.memory_space<semaphore_mem>>
        %dma_wait3A_63 = tpu.memref_squeeze %dma_wait3A : memref<1x!tpu.dma_semaphore, #tpu.memory_space<semaphore_mem>> -> memref<!tpu.dma_semaphore, #tpu.memory_space<semaphore_mem>>
        %dma_wait3A_64 = arith.constant 0 : i32
        %dma_wait3A_65 = arith.constant 0 : i32
        %dma_wait3A_66 = tpu.memref_slice %arg5[%rem3A_8, %dma_wait3A_64, %dma_wait3A_65] : memref<3x64x32768xf32, #tpu.memory_space<vmem>> -> memref<1x64x16896xf32, #tpu.memory_space<vmem>>
        %dma_wait3A_67 = tpu.memref_squeeze %dma_wait3A_66 : memref<1x64x16896xf32, #tpu.memory_space<vmem>> -> memref<64x16896xf32, #tpu.memory_space<vmem>>
        %dma_wait3A_68 = arith.constant 0 : i32
        %dma_wait3A_69 = tpu.memref_slice %arg2[%dma_wait3A_68, %mul3A_62] : memref<64x1000000xf32, #tpu.memory_space<hbm>> -> memref<64x16896xf32, #tpu.memory_space<hbm>>
        tpu.wait_dma2 semaphore(%dma_wait3A_63 : memref<!tpu.dma_semaphore, #tpu.memory_space<semaphore_mem>>) src(%dma_wait3A_69 : memref<64x16896xf32, #tpu.memory_space<hbm>>) dst(%dma_wait3A_67 : memref<64x16896xf32, #tpu.memory_space<vmem>>)
      } else {
      }
      %get3A = arith.constant 0 : index
      %get3A_34 = arith.constant 0 : index
      %get3A_35 = vector.load %arg1[%get3A, %get3A_34] : memref<32x64xf32, #tpu.memory_space<vmem>>, vector<32x64xf32>
      %get3A_36 = arith.index_cast %rem3A_8 : i32 to index
      %get3A_37 = arith.constant 0 : index
      %get3A_38 = arith.constant 0 : index
      %get3A_39 = vector.load %arg5[%get3A_36, %get3A_37, %get3A_38] : memref<3x64x32768xf32, #tpu.memory_space<vmem>>, vector<1x64x32768xf32>
      %get3A_40 = vector.shape_cast %get3A_39 : vector<1x64x32768xf32> to vector<64x32768xf32>
      %dot_general3A = arith.constant dense<0.000000e+00> : vector<32x32768xf32>
      %dot_general3A_41 = tpu.matmul %get3A_35, %get3A_40, %dot_general3A {dimension_numbers = #tpu.dot_dimension_numbers<[1], [0], [0], [1], [0, 0, 1, 1], [], []>, transpose_lhs_hint = false} : vector<32x64xf32>, vector<64x32768xf32>, vector<32x32768xf32> -> vector<32x32768xf32>
      %mul3A = arith.constant 32768 : i32
      %mul3A_42 = arith.muli %arg0, %mul3A : i32
      %reduce_max3A = arith.constant dense<0xFF800000> : vector<32xf32>
      %reduce_max3A_43 = vector.multi_reduction <maximumf>, %dot_general3A_41, %reduce_max3A [1] : vector<32x32768xf32> to vector<32xf32>
      %broadcast_in_dim3A = vector.shape_cast %reduce_max3A_43 : vector<32xf32> to vector<32x1xf32>
      %get3A_44 = arith.constant 0 : index
      %get3A_45 = arith.constant 0 : index
      %get3A_46 = vector.load %arg6[%get3A_44, %get3A_45] : memref<32x1xf32, #tpu.memory_space<vmem>>, vector<32x1xf32>
      %gt3A = arith.cmpf ogt, %broadcast_in_dim3A, %get3A_46 : vector<32x1xf32>
      %reduce_or3A = arith.constant 1.000000e+00 : f32
      %reduce_or3A_47 = arith.constant 0.000000e+00 : f32
      %reduce_or3A_48 = vector.broadcast %reduce_or3A : f32 to vector<32x1xf32>
      %reduce_or3A_49 = vector.broadcast %reduce_or3A_47 : f32 to vector<32x1xf32>
      %reduce_or3A_50 = arith.select %gt3A, %reduce_or3A_48, %reduce_or3A_49 : vector<32x1xi1>, vector<32x1xf32>
      %reduce_or3A_51 = vector.shape_cast %reduce_or3A_50 : vector<32x1xf32> to vector<1x32x1xf32>
      %reduce_or3A_52 = arith.constant dense<0xFF800000> : vector<1xf32>
      %reduce_or3A_53 = vector.multi_reduction <maximumf>, %reduce_or3A_51, %reduce_or3A_52 [1, 2] : vector<1x32x1xf32> to vector<1xf32>
      %reduce_or3A_54 = vector.shape_cast %reduce_or3A_53 : vector<1xf32> to vector<1x1x1xf32>
      %reduce_or3A_55 = vector.extract %reduce_or3A_54[0, 0, 0] : f32 from vector<1x1x1xf32>
      %reduce_or3A_56 = arith.constant 0.000000e+00 : f32
      %reduce_or3A_57 = arith.cmpf ogt, %reduce_or3A_55, %reduce_or3A_56 : f32
      %convert_element_type3A_58 = arith.extui %reduce_or3A_57 : i1 to i32
      %cond3A_59 = arith.constant 0 : i32
      %cond3A_60 = arith.cmpi ne, %convert_element_type3A_58, %cond3A_59 : i32
      scf.if %cond3A_60 {
        %iota3A = tpu.iota {dimensions = array<i32: 1>} : vector<32x32768xi32>
        %eq3A_61 = vector.broadcast %broadcast_in_dim3A : vector<32x1xf32> to vector<32x32768xf32>
        %eq3A_62 = arith.cmpf oeq, %dot_general3A_41, %eq3A_61 : vector<32x32768xf32>
        %jit3A = arith.constant 1000000 : i32
        %broadcast_in_dim3A_63 = vector.broadcast %jit3A : i32 to vector<32x32768xi32>
        %select_n3A = arith.select %eq3A_62, %iota3A, %broadcast_in_dim3A_63 : vector<32x32768xi1>, vector<32x32768xi32>
        %reduce_min3A = arith.constant dense<2147483647> : vector<32xi32>
        %reduce_min3A_64 = vector.multi_reduction <minsi>, %select_n3A, %reduce_min3A [1] : vector<32x32768xi32> to vector<32xi32>
        %broadcast_in_dim3A_65 = vector.shape_cast %reduce_min3A_64 : vector<32xi32> to vector<32x1xi32>
        %add3A_66 = vector.broadcast %mul3A_42 : i32 to vector<32x1xi32>
        %add3A_67 = arith.addi %add3A_66, %broadcast_in_dim3A_65 : vector<32x1xi32>
        %get3A_68 = arith.constant 0 : index
        %get3A_69 = arith.constant 0 : index
        %get3A_70 = vector.load %arg7[%get3A_68, %get3A_69] : memref<32x1xi32, #tpu.memory_space<vmem>>, vector<32x1xi32>
        %select_n3A_71 = arith.select %gt3A, %add3A_67, %get3A_70 : vector<32x1xi1>, vector<32x1xi32>
        %swap3A = arith.constant 0 : index
        %swap3A_72 = arith.constant 0 : index
        %swap3A_73 = vector.load %arg7[%swap3A, %swap3A_72] : memref<32x1xi32, #tpu.memory_space<vmem>>, vector<32x1xi32>
        tpu.vector_store %arg7[%swap3A, %swap3A_72], %select_n3A_71 {strides = array<i32>} : memref<32x1xi32, #tpu.memory_space<vmem>>, vector<32x1xi32>,
        %select_n3A_74 = arith.select %gt3A, %broadcast_in_dim3A, %get3A_46 : vector<32x1xi1>, vector<32x1xf32>
        %swap3A_75 = arith.constant 0 : index
        %swap3A_76 = arith.constant 0 : index
        %swap3A_77 = vector.load %arg6[%swap3A_75, %swap3A_76] : memref<32x1xf32, #tpu.memory_space<vmem>>, vector<32x1xf32>
        tpu.vector_store %arg6[%swap3A_75, %swap3A_76], %select_n3A_74 {strides = array<i32>} : memref<32x1xf32, #tpu.memory_space<vmem>>, vector<32x1xf32>,
      } else {
      }
    } else {
    }
    %eq3A_14 = arith.constant 30 : i32
    %eq3A_15 = arith.cmpi eq, %arg0, %eq3A_14 : i32
    %convert_element_type3A_16 = arith.extui %eq3A_15 : i1 to i32
    %cond3A_17 = arith.constant 0 : i32
    %cond3A_18 = arith.cmpi ne, %convert_element_type3A_16, %cond3A_17 : i32
    scf.if %cond3A_18 {
      %lt3A_24 = arith.constant 30 : i32
      %lt3A_25 = arith.cmpi slt, %arg0, %lt3A_24 : i32
      %convert_element_type3A_26 = arith.extui %lt3A_25 : i1 to i32
      %cond3A_27 = arith.constant 0 : i32
      %cond3A_28 = arith.cmpi ne, %convert_element_type3A_26, %cond3A_27 : i32
      scf.if %cond3A_28 {
        %mul3A_61 = arith.constant 32768 : i32
        %mul3A_62 = arith.muli %arg0, %mul3A_61 : i32
        %dma_wait3A = tpu.memref_slice %arg8[%rem3A_8] : memref<3x!tpu.dma_semaphore, #tpu.memory_space<semaphore_mem>> -> memref<1x!tpu.dma_semaphore, #tpu.memory_space<semaphore_mem>>
        %dma_wait3A_63 = tpu.memref_squeeze %dma_wait3A : memref<1x!tpu.dma_semaphore, #tpu.memory_space<semaphore_mem>> -> memref<!tpu.dma_semaphore, #tpu.memory_space<semaphore_mem>>
        %dma_wait3A_64 = arith.constant 0 : i32
        %dma_wait3A_65 = arith.constant 0 : i32
        %dma_wait3A_66 = tpu.memref_slice %arg5[%rem3A_8, %dma_wait3A_64, %dma_wait3A_65] : memref<3x64x32768xf32, #tpu.memory_space<vmem>> -> memref<1x64x32768xf32, #tpu.memory_space<vmem>>
        %dma_wait3A_67 = tpu.memref_squeeze %dma_wait3A_66 : memref<1x64x32768xf32, #tpu.memory_space<vmem>> -> memref<64x32768xf32, #tpu.memory_space<vmem>>
        %dma_wait3A_68 = arith.constant 0 : i32
        %dma_wait3A_69 = tpu.memref_slice %arg2[%dma_wait3A_68, %mul3A_62] : memref<64x1000000xf32, #tpu.memory_space<hbm>> -> memref<64x32768xf32, #tpu.memory_space<hbm>>
        tpu.wait_dma2 semaphore(%dma_wait3A_63 : memref<!tpu.dma_semaphore, #tpu.memory_space<semaphore_mem>>) src(%dma_wait3A_69 : memref<64x32768xf32, #tpu.memory_space<hbm>>) dst(%dma_wait3A_67 : memref<64x32768xf32, #tpu.memory_space<vmem>>)
      } else {
      }
      %eq3A_29 = arith.constant 30 : i32
      %eq3A_30 = arith.cmpi eq, %arg0, %eq3A_29 : i32
      %convert_element_type3A_31 = arith.extui %eq3A_30 : i1 to i32
      %cond3A_32 = arith.constant 0 : i32
      %cond3A_33 = arith.cmpi ne, %convert_element_type3A_31, %cond3A_32 : i32
      scf.if %cond3A_33 {
        %mul3A_61 = arith.constant 32768 : i32
        %mul3A_62 = arith.muli %arg0, %mul3A_61 : i32
        %dma_wait3A = tpu.memref_slice %arg8[%rem3A_8] : memref<3x!tpu.dma_semaphore, #tpu.memory_space<semaphore_mem>> -> memref<1x!tpu.dma_semaphore, #tpu.memory_space<semaphore_mem>>
        %dma_wait3A_63 = tpu.memref_squeeze %dma_wait3A : memref<1x!tpu.dma_semaphore, #tpu.memory_space<semaphore_mem>> -> memref<!tpu.dma_semaphore, #tpu.memory_space<semaphore_mem>>
        %dma_wait3A_64 = arith.constant 0 : i32
        %dma_wait3A_65 = arith.constant 0 : i32
        %dma_wait3A_66 = tpu.memref_slice %arg5[%rem3A_8, %dma_wait3A_64, %dma_wait3A_65] : memref<3x64x32768xf32, #tpu.memory_space<vmem>> -> memref<1x64x16896xf32, #tpu.memory_space<vmem>>
        %dma_wait3A_67 = tpu.memref_squeeze %dma_wait3A_66 : memref<1x64x16896xf32, #tpu.memory_space<vmem>> -> memref<64x16896xf32, #tpu.memory_space<vmem>>
        %dma_wait3A_68 = arith.constant 0 : i32
        %dma_wait3A_69 = tpu.memref_slice %arg2[%dma_wait3A_68, %mul3A_62] : memref<64x1000000xf32, #tpu.memory_space<hbm>> -> memref<64x16896xf32, #tpu.memory_space<hbm>>
        tpu.wait_dma2 semaphore(%dma_wait3A_63 : memref<!tpu.dma_semaphore, #tpu.memory_space<semaphore_mem>>) src(%dma_wait3A_69 : memref<64x16896xf32, #tpu.memory_space<hbm>>) dst(%dma_wait3A_67 : memref<64x16896xf32, #tpu.memory_space<vmem>>)
      } else {
      }
      %get3A = arith.constant 0 : index
      %get3A_34 = arith.constant 0 : index
      %get3A_35 = vector.load %arg1[%get3A, %get3A_34] : memref<32x64xf32, #tpu.memory_space<vmem>>, vector<32x64xf32>
      %get3A_36 = arith.index_cast %rem3A_8 : i32 to index
      %get3A_37 = arith.constant 0 : index
      %get3A_38 = arith.constant 0 : index
      %get3A_39 = vector.load %arg5[%get3A_36, %get3A_37, %get3A_38] : memref<3x64x32768xf32, #tpu.memory_space<vmem>>, vector<1x64x16896xf32>
      %get3A_40 = vector.shape_cast %get3A_39 : vector<1x64x16896xf32> to vector<64x16896xf32>
      %dot_general3A = arith.constant dense<0.000000e+00> : vector<32x16896xf32>
      %dot_general3A_41 = tpu.matmul %get3A_35, %get3A_40, %dot_general3A {dimension_numbers = #tpu.dot_dimension_numbers<[1], [0], [0], [1], [0, 0, 1, 1], [], []>, transpose_lhs_hint = false} : vector<32x64xf32>, vector<64x16896xf32>, vector<32x16896xf32> -> vector<32x16896xf32>
      %mul3A = arith.constant 32768 : i32
      %mul3A_42 = arith.muli %arg0, %mul3A : i32
      %reduce_max3A = arith.constant dense<0xFF800000> : vector<32xf32>
      %reduce_max3A_43 = vector.multi_reduction <maximumf>, %dot_general3A_41, %reduce_max3A [1] : vector<32x16896xf32> to vector<32xf32>
      %broadcast_in_dim3A = vector.shape_cast %reduce_max3A_43 : vector<32xf32> to vector<32x1xf32>
      %get3A_44 = arith.constant 0 : index
      %get3A_45 = arith.constant 0 : index
      %get3A_46 = vector.load %arg6[%get3A_44, %get3A_45] : memref<32x1xf32, #tpu.memory_space<vmem>>, vector<32x1xf32>
      %gt3A = arith.cmpf ogt, %broadcast_in_dim3A, %get3A_46 : vector<32x1xf32>
      %reduce_or3A = arith.constant 1.000000e+00 : f32
      %reduce_or3A_47 = arith.constant 0.000000e+00 : f32
      %reduce_or3A_48 = vector.broadcast %reduce_or3A : f32 to vector<32x1xf32>
      %reduce_or3A_49 = vector.broadcast %reduce_or3A_47 : f32 to vector<32x1xf32>
      %reduce_or3A_50 = arith.select %gt3A, %reduce_or3A_48, %reduce_or3A_49 : vector<32x1xi1>, vector<32x1xf32>
      %reduce_or3A_51 = vector.shape_cast %reduce_or3A_50 : vector<32x1xf32> to vector<1x32x1xf32>
      %reduce_or3A_52 = arith.constant dense<0xFF800000> : vector<1xf32>
      %reduce_or3A_53 = vector.multi_reduction <maximumf>, %reduce_or3A_51, %reduce_or3A_52 [1, 2] : vector<1x32x1xf32> to vector<1xf32>
      %reduce_or3A_54 = vector.shape_cast %reduce_or3A_53 : vector<1xf32> to vector<1x1x1xf32>
      %reduce_or3A_55 = vector.extract %reduce_or3A_54[0, 0, 0] : f32 from vector<1x1x1xf32>
      %reduce_or3A_56 = arith.constant 0.000000e+00 : f32
      %reduce_or3A_57 = arith.cmpf ogt, %reduce_or3A_55, %reduce_or3A_56 : f32
      %convert_element_type3A_58 = arith.extui %reduce_or3A_57 : i1 to i32
      %cond3A_59 = arith.constant 0 : i32
      %cond3A_60 = arith.cmpi ne, %convert_element_type3A_58, %cond3A_59 : i32
      scf.if %cond3A_60 {
        %iota3A = tpu.iota {dimensions = array<i32: 1>} : vector<32x16896xi32>
        %eq3A_61 = vector.broadcast %broadcast_in_dim3A : vector<32x1xf32> to vector<32x16896xf32>
        %eq3A_62 = arith.cmpf oeq, %dot_general3A_41, %eq3A_61 : vector<32x16896xf32>
        %jit3A = arith.constant 1000000 : i32
        %broadcast_in_dim3A_63 = vector.broadcast %jit3A : i32 to vector<32x16896xi32>
        %select_n3A = arith.select %eq3A_62, %iota3A, %broadcast_in_dim3A_63 : vector<32x16896xi1>, vector<32x16896xi32>
        %reduce_min3A = arith.constant dense<2147483647> : vector<32xi32>
        %reduce_min3A_64 = vector.multi_reduction <minsi>, %select_n3A, %reduce_min3A [1] : vector<32x16896xi32> to vector<32xi32>
        %broadcast_in_dim3A_65 = vector.shape_cast %reduce_min3A_64 : vector<32xi32> to vector<32x1xi32>
        %add3A_66 = vector.broadcast %mul3A_42 : i32 to vector<32x1xi32>
        %add3A_67 = arith.addi %add3A_66, %broadcast_in_dim3A_65 : vector<32x1xi32>
        %get3A_68 = arith.constant 0 : index
        %get3A_69 = arith.constant 0 : index
        %get3A_70 = vector.load %arg7[%get3A_68, %get3A_69] : memref<32x1xi32, #tpu.memory_space<vmem>>, vector<32x1xi32>
        %select_n3A_71 = arith.select %gt3A, %add3A_67, %get3A_70 : vector<32x1xi1>, vector<32x1xi32>
        %swap3A = arith.constant 0 : index
        %swap3A_72 = arith.constant 0 : index
        %swap3A_73 = vector.load %arg7[%swap3A, %swap3A_72] : memref<32x1xi32, #tpu.memory_space<vmem>>, vector<32x1xi32>
        tpu.vector_store %arg7[%swap3A, %swap3A_72], %select_n3A_71 {strides = array<i32>} : memref<32x1xi32, #tpu.memory_space<vmem>>, vector<32x1xi32>,
        %select_n3A_74 = arith.select %gt3A, %broadcast_in_dim3A, %get3A_46 : vector<32x1xi1>, vector<32x1xf32>
        %swap3A_75 = arith.constant 0 : index
        %swap3A_76 = arith.constant 0 : index
        %swap3A_77 = vector.load %arg6[%swap3A_75, %swap3A_76] : memref<32x1xf32, #tpu.memory_space<vmem>>, vector<32x1xf32>
        tpu.vector_store %arg6[%swap3A_75, %swap3A_76], %select_n3A_74 {strides = array<i32>} : memref<32x1xf32, #tpu.memory_space<vmem>>, vector<32x1xf32>,
      } else {
      }
    } else {
    }
    %eq3A_19 = arith.constant 31 : i32
    %eq3A_20 = arith.cmpi eq, %arg0, %eq3A_19 : i32
    %convert_element_type3A_21 = arith.extui %eq3A_20 : i1 to i32
    %cond3A_22 = arith.constant 0 : i32
    %cond3A_23 = arith.cmpi ne, %convert_element_type3A_21, %cond3A_22 : i32
    scf.if %cond3A_23 {
      %get3A = arith.constant 0 : index
      %get3A_24 = arith.constant 0 : index
      %get3A_25 = vector.load %arg1[%get3A, %get3A_24] : memref<32x64xf32, #tpu.memory_space<vmem>>, vector<32x64xf32>
      %get3A_26 = arith.constant 0 : index
      %get3A_27 = arith.constant 0 : index
      %get3A_28 = vector.load %arg3[%get3A_26, %get3A_27] : memref<64x64xf32, #tpu.memory_space<vmem>>, vector<64x64xf32>
      %dot_general3A = arith.constant dense<0.000000e+00> : vector<32x64xf32>
      %dot_general3A_29 = tpu.matmul %get3A_25, %get3A_28, %dot_general3A {dimension_numbers = #tpu.dot_dimension_numbers<[1], [0], [0], [1], [0, 0, 1, 1], [], []>, transpose_lhs_hint = false} : vector<32x64xf32>, vector<64x64xf32>, vector<32x64xf32> -> vector<32x64xf32>
      %reduce_max3A = arith.constant dense<0xFF800000> : vector<32xf32>
      %reduce_max3A_30 = vector.multi_reduction <maximumf>, %dot_general3A_29, %reduce_max3A [1] : vector<32x64xf32> to vector<32xf32>
      %broadcast_in_dim3A = vector.shape_cast %reduce_max3A_30 : vector<32xf32> to vector<32x1xf32>
      %get3A_31 = arith.constant 0 : index
      %get3A_32 = arith.constant 0 : index
      %get3A_33 = vector.load %arg6[%get3A_31, %get3A_32] : memref<32x1xf32, #tpu.memory_space<vmem>>, vector<32x1xf32>
      %gt3A = arith.cmpf ogt, %broadcast_in_dim3A, %get3A_33 : vector<32x1xf32>
      %reduce_or3A = arith.constant 1.000000e+00 : f32
      %reduce_or3A_34 = arith.constant 0.000000e+00 : f32
      %reduce_or3A_35 = vector.broadcast %reduce_or3A : f32 to vector<32x1xf32>
      %reduce_or3A_36 = vector.broadcast %reduce_or3A_34 : f32 to vector<32x1xf32>
      %reduce_or3A_37 = arith.select %gt3A, %reduce_or3A_35, %reduce_or3A_36 : vector<32x1xi1>, vector<32x1xf32>
      %reduce_or3A_38 = vector.shape_cast %reduce_or3A_37 : vector<32x1xf32> to vector<1x32x1xf32>
      %reduce_or3A_39 = arith.constant dense<0xFF800000> : vector<1xf32>
      %reduce_or3A_40 = vector.multi_reduction <maximumf>, %reduce_or3A_38, %reduce_or3A_39 [1, 2] : vector<1x32x1xf32> to vector<1xf32>
      %reduce_or3A_41 = vector.shape_cast %reduce_or3A_40 : vector<1xf32> to vector<1x1x1xf32>
      %reduce_or3A_42 = vector.extract %reduce_or3A_41[0, 0, 0] : f32 from vector<1x1x1xf32>
      %reduce_or3A_43 = arith.constant 0.000000e+00 : f32
      %reduce_or3A_44 = arith.cmpf ogt, %reduce_or3A_42, %reduce_or3A_43 : f32
      %convert_element_type3A_45 = arith.extui %reduce_or3A_44 : i1 to i32
      %cond3A_46 = arith.constant 0 : i32
      %cond3A_47 = arith.cmpi ne, %convert_element_type3A_45, %cond3A_46 : i32
      scf.if %cond3A_47 {
        %iota3A = tpu.iota {dimensions = array<i32: 1>} : vector<32x64xi32>
        %eq3A_52 = vector.broadcast %broadcast_in_dim3A : vector<32x1xf32> to vector<32x64xf32>
        %eq3A_53 = arith.cmpf oeq, %dot_general3A_29, %eq3A_52 : vector<32x64xf32>
        %jit3A = arith.constant 1000000 : i32
        %broadcast_in_dim3A_54 = vector.broadcast %jit3A : i32 to vector<32x64xi32>
        %select_n3A = arith.select %eq3A_53, %iota3A, %broadcast_in_dim3A_54 : vector<32x64xi1>, vector<32x64xi32>
        %reduce_min3A = arith.constant dense<2147483647> : vector<32xi32>
        %reduce_min3A_55 = vector.multi_reduction <minsi>, %select_n3A, %reduce_min3A [1] : vector<32x64xi32> to vector<32xi32>
        %broadcast_in_dim3A_56 = vector.shape_cast %reduce_min3A_55 : vector<32xi32> to vector<32x1xi32>
        %add3A_57 = arith.constant 999936 : i32
        %add3A_58 = vector.broadcast %add3A_57 : i32 to vector<32x1xi32>
        %add3A_59 = arith.addi %add3A_58, %broadcast_in_dim3A_56 : vector<32x1xi32>
        %get3A_60 = arith.constant 0 : index
        %get3A_61 = arith.constant 0 : index
        %get3A_62 = vector.load %arg7[%get3A_60, %get3A_61] : memref<32x1xi32, #tpu.memory_space<vmem>>, vector<32x1xi32>
        %select_n3A_63 = arith.select %gt3A, %add3A_59, %get3A_62 : vector<32x1xi1>, vector<32x1xi32>
        %swap3A_64 = arith.constant 0 : index
        %swap3A_65 = arith.constant 0 : index
        %swap3A_66 = vector.load %arg7[%swap3A_64, %swap3A_65] : memref<32x1xi32, #tpu.memory_space<vmem>>, vector<32x1xi32>
        tpu.vector_store %arg7[%swap3A_64, %swap3A_65], %select_n3A_63 {strides = array<i32>} : memref<32x1xi32, #tpu.memory_space<vmem>>, vector<32x1xi32>,
        %select_n3A_67 = arith.select %gt3A, %broadcast_in_dim3A, %get3A_33 : vector<32x1xi1>, vector<32x1xf32>
        %swap3A_68 = arith.constant 0 : index
        %swap3A_69 = arith.constant 0 : index
        %swap3A_70 = vector.load %arg6[%swap3A_68, %swap3A_69] : memref<32x1xf32, #tpu.memory_space<vmem>>, vector<32x1xf32>
        tpu.vector_store %arg6[%swap3A_68, %swap3A_69], %select_n3A_67 {strides = array<i32>} : memref<32x1xf32, #tpu.memory_space<vmem>>, vector<32x1xf32>,
      } else {
      }
      %get3A_48 = arith.constant 0 : index
      %get3A_49 = arith.constant 0 : index
      %get3A_50 = vector.load %arg7[%get3A_48, %get3A_49] : memref<32x1xi32, #tpu.memory_space<vmem>>, vector<32x1xi32>
      %reshape3A = vector.shape_cast %get3A_50 : vector<32x1xi32> to vector<32xi32>
      %swap3A = arith.constant 0 : index
      %swap3A_51 = vector.load %arg4[%swap3A] : memref<32xi32, #tpu.memory_space<vmem>>, vector<32xi32>
      tpu.vector_store %arg4[%swap3A], %reshape3A {strides = array<i32>} : memref<32xi32, #tpu.memory_space<vmem>>, vector<32xi32>,
    } else {
    }
    return
  }
  func.func @transform_0(%arg0: i32) -> (i32, i32) {
    %c0_i32 = arith.constant 0 : i32
    %c0_i32_0 = arith.constant 0 : i32
    %c0_i32_1 = arith.constant 0 : i32
    return %c0_i32, %c0_i32_0 : i32, i32
  }
  func.func @transform_2(%arg0: i32) -> (i32, i32) {
    %c0_i32 = arith.constant 0 : i32
    %c0_i32_0 = arith.constant 0 : i32
    %c0_i32_1 = arith.constant 0 : i32
    return %c0_i32, %c0_i32_0 : i32, i32
  }
  func.func @transform_3(%arg0: i32) -> i32 {
    %c0_i32 = arith.constant 0 : i32
    %c0_i32_0 = arith.constant 0 : i32
    return %c0_i32 : i32
  }
}

</mosaic_0001>

<sc_bundles>
// kernel: kernel.4.cloned.1.call-start
scs
__scs_entry_jumppad:
0x0: {  	(pc) =	sbr.rel $0x88, $3  }
0x1: {  	(tag) =	ssettag $0x0;
	lr =	simm.s32 $0x1  }
0x2: {  	[smem:$0x3F9D] =	sst lr;
	_ =	strace $0xD0000000  }
0x3: {  	_ = 	snop  }
0x4: {  	_ = 	snop  }
0x5: {  	_ = 	snop  }
0x6: {  	_ = 	snop  }
0x7: {  	_ = 	snop  }
__scs_overlays_trampoline_lowered:
0x8: {  	[smem:$0x3FAC] =	sst s0  }
0x9: {  	[smem:$0x3FAD] =	sst s1  }
0xa: {  	[smem:$0x3FAE] =	sst s2  }
0xb: {  	[smem:$0x3FAF] =	sst s3  }
0xc: {  	[smem:$0x3FB0] =	sst s4  }
0xd: {  	[smem:$0x3FB1] =	sst s5  }
0xe: {  	[smem:$0x3FB2] =	sst s6  }
0xf: {  	[smem:$0x3FB3] =	sst s7  }
0x10: {  	[smem:$0x3FB4] =	sst s8  }
0x11: {  	[smem:$0x3FB5] =	sst s9;
	s0 =	simm.s32 @!p0 $0x0  }
0x12: {  	s1 =	sld [smem:$0x3F9B];
	s0 =	simm.s32 @p0 $0x1  }
0x13: {  	[smem:$0x3FB6] =	sst s0;
	s0 =	simm.s32 @!p1 $0x0  }
0x14: {  	s2 =	sld [smem:$0x3F9A];
	s0 =	simm.s32 @p1 $0x1  }
0x15: {  	[smem:$0x3FB7] =	sst s0;
	s0 =	simm.s32 @!p2 $0x0  }
0x16: {  	s3 =	sld [smem:$0x3FDB];
	s0 =	simm.s32 @p2 $0x1  }
0x17: {  	s4 =	simm.s32 $0x1BF5;
	[smem:$0x3FB9] =	sst s0  }
0x18: {  	s0 =	sld [smem:$0x3F9C];
	_ =	swait.ge [sflag:s4], $0x0  }
0x19: {  	s7 =	sld [smem:$0x3F9D]  }
0x1a: {  	s8 =	sadd.s32 $0xFFFFE003, lr  }
0x1b: {  	s9 =	sadd.s32 $0xFFFFFEF7, lr;
	s5 =	simm.s32 $0xFFFFFFFF;
	p2 =	slt.u32 s8, $0xFFFFF086  }
0x1c: {  	p1 =	slt.u32 s9, $0xF7A;
	s5 =	simm.s32 @!p2 $0x0  }
0x1d: {  	s5 =	simm.s32 @p1 $0x1;
	p0 =	seq.s32 s7, s2  }
0x1e: {  	s7 =	smul.u32 @!p0 $0xF7A, s2;
	p2 =	seq.s32 @!p0 s5, $0x0  }
0x1f: {  	s9 =	smul.u32 $0xF7A, s1;
	s8 =	simm.s32 @!p0 $0x1BF5;
	p2 =	por !p2, p0  }
0x20: {  	[sflag:s8] =	ssyncset.s32 @!p0 $0xFFFFF086;
	s6 =	sadd.s32 @!p0 s3, s7;
	s7 =	simm.s32 @!p0 $0x108  }
0x21: {  	s3 =	sadd.s32 s3, s9;
	s6 =	sadd.s32 @!p0 $0x88, s6;
	s7 =	simm.s32 @p2 $0x1082  }
0x22: {  	[simem:s7], [sflag:s8] =	dma.local @!p0 [hbm:s6], $0xF7A  }
0x23: {  	s9 =	sor.u32 $0xD0000000, s2;
	s6 =	simm.s32 $0x108;
	_ =	swait.ge @!p0 [sflag:s8], $0x0  }
0x24: {  	s3 =	sadd.s32 $0x88, s3;
	s6 =	simm.s32 @!p1 $0x1082;
	[sflag:s4] =	ssyncset.s32 $0xFFFFF086  }
0x25: {  	[simem:s6], [sflag:s4] =	dma.local [hbm:s3], $0xF7A  }
0x26: {  	[smem:$0x3F9D] =	sst s1;
	(tag) =	ssettag s2;
	_ =	strace s9  }
0x27: {  	s1 =	sld [smem:$0x3FAD]  }
0x28: {  	s2 =	sld [smem:$0x3FAE]  }
0x29: {  	s4 =	sld [smem:$0x3FB0]  }
0x2a: {  	p0 =	seq.s32 s5, $0x0;
	s5 =	sld [smem:$0x3FB1]  }
0x2b: {  	s6 =	sld [smem:$0x3FB2]  }
0x2c: {  	s7 =	sld [smem:$0x3FB3]  }
0x2d: {  	s3 =	simm.s32 $0x108;
	s8 =	sld [smem:$0x3FB4]  }
0x2e: {  	s3 =	simm.s32 @!p0 $0x1082;
	s9 =	sld [smem:$0x3FB5]  }
0x2f: {  	lr =	sadd.s32 s0, s3;
	s0 =	sld [smem:$0x3FAC]  }
0x30: {  	s3 =	sld [smem:$0x3FAF]  }
0x31: {  	[smem:$0x3FB8] =	sst s10  }
0x32: {  	s10 =	sld [smem:$0x3FB6];
	_ =	sdelay $0x3  }
0x33: {  	p0 =	seq.s32 s10, $0x1;
	s10 =	sld [smem:$0x3FB8];
	_ =	sdelay $0x3  }
0x34: {  	[smem:$0x3FB8] =	sst s10  }
0x35: {  	s10 =	sld [smem:$0x3FB7];
	_ =	sdelay $0x3  }
0x36: {  	p1 =	seq.s32 s10, $0x1;
	s10 =	sld [smem:$0x3FB8];
	_ =	sdelay $0x3  }
0x37: {  	[smem:$0x3FB8] =	sst s10  }
0x38: {  	s10 =	sld [smem:$0x3FB9]  }
0x39: {  	_ = 	snop;
	(pc) =	sbr.ind lr, $3  }
0x3a: {  	_ = 	snop  }
0x3b: {  	_ = 	snop  }
0x3c: {  	p2 =	seq.s32 s10, $0x1;
	s10 =	sld [smem:$0x3FB8]  }
0x3d: {  	_ =	shalt  }
0x3e: {  	_ =	shalt  }
0x3f: {  	_ =	shalt  }
0x40: {  	_ =	shalt  }
0x41: {  	_ =	shalt  }
0x42: {  	_ =	shalt  }
0x43: {  	_ =	shalt  }
0x44: {  	_ =	shalt  }
0x45: {  	_ =	shalt  }
0x46: {  	_ =	shalt  }
0x47: {  	_ =	shalt  }
0x48: {  	_ =	shalt  }
0x49: {  	_ =	shalt  }
0x4a: {  	_ =	shalt  }
0x4b: {  	_ =	shalt  }
0x4c: {  	_ =	shalt  }
0x4d: {  	_ =	shalt  }
0x4e: {  	_ =	shalt  }
0x4f: {  	_ =	shalt  }
0x50: {  	_ =	shalt  }
0x51: {  	_ =	shalt  }
0x52: {  	_ =	shalt  }
0x53: {  	_ =	shalt  }
0x54: {  	_ =	shalt  }
0x55: {  	_ =	shalt  }
0x56: {  	_ =	shalt  }
0x57: {  	_ =	shalt  }
0x58: {  	_ =	shalt  }
0x59: {  	_ =	shalt  }
0x5a: {  	_ =	shalt  }
0x5b: {  	_ =	shalt  }
0x5c: {  	_ =	shalt  }
0x5d: {  	_ =	shalt  }
0x5e: {  	_ =	shalt  }
0x5f: {  	_ =	shalt  }
0x60: {  	_ =	shalt  }
0x61: {  	_ =	shalt  }
0x62: {  	_ =	shalt  }
0x63: {  	_ =	shalt  }
0x64: {  	_ =	shalt  }
0x65: {  	_ =	shalt  }
0x66: {  	_ =	shalt  }
0x67: {  	_ =	shalt  }
0x68: {  	_ =	shalt  }
0x69: {  	_ =	shalt  }
0x6a: {  	_ =	shalt  }
0x6b: {  	_ =	shalt  }
0x6c: {  	_ =	shalt  }
0x6d: {  	_ =	shalt  }
0x6e: {  	_ =	shalt  }
0x6f: {  	_ =	shalt  }
0x70: {  	_ =	shalt  }
0x71: {  	_ =	shalt  }
0x72: {  	_ =	shalt  }
0x73: {  	_ =	shalt  }
0x74: {  	_ =	shalt  }
0x75: {  	_ =	shalt  }
0x76: {  	_ =	shalt  }
0x77: {  	_ =	shalt  }
0x78: {  	_ =	shalt  }
0x79: {  	_ =	shalt  }
0x7a: {  	_ =	shalt  }
0x7b: {  	_ =	shalt  }
0x7c: {  	_ =	shalt  }
0x7d: {  	_ =	shalt  }
0x7e: {  	_ =	shalt  }
0x7f: {  	_ =	shalt  }
0x80: {  	_ =	shalt  }
0x81: {  	_ =	shalt  }
0x82: {  	_ =	shalt  }
0x83: {  	_ =	shalt  }
0x84: {  	_ =	shalt  }
0x85: {  	_ =	shalt  }
0x86: {  	_ =	shalt  }
0x87: {  	_ =	shalt  }
.Lfunc_end0:
.L_simem_size_0:
called_computation_lowered:
.L_overlay_start_0:
0x88: {  	s2 =	sld [smem:$0x3FD9]  }
0x89: {  	s3 =	sld [smem:$0x3FFE];
	_ =	sdelay $0x1  }
0x8a: {  	s1 =	srdreg.scid  }
0x8b: {  	s0 =	sand.u32 $0x1, s1  }
0x8c: {  	s14 =	sshll.u32 s0, $0xA;
	s2 =	sadd.s32 s3, s2  }
0x8d: {  	s2 =	sadd.s32 s2, s14  }
0x8e: {  	[smem:$0x3FC4] =	sst s2  }
0x8f: {  	_ = 	snop  }
0x90: {  	s2 =	sld [smem:$0x3FD0];
	_ =	sdelay $0x1  }
0x91: {  	s15 =	sld [smem:$0x3FC7]  }
0x92: {  	s5 =	simm.s32 $0xA;
	s6 =	simm.s32 $0x10;
	s4 =	sld [smem:$0x3FC6]  }
0x93: {  	[smem:s6], [sflag:s5] =	dma.local [hbm:s2], $0x1  }
0x94: {  	_ =	swait.eq [sflag:s5], $0x1  }
0x95: {  	[sflag:s5] =	ssyncset.done $0x0  }
0x96: {  	s16 =	sld [smem:$0x10];
	[sflag:s5] =	ssyncadd.s32 $0xFFFFFFFF  }
0x97: {  	s17 =	sld [smem:$0x11];
	(tm) =	ssettm $0x1  }
0x98: {  	s18 =	sld [smem:$0x3FFB];
	_ =	sdelay $0x3  }
0x99: {  	_ =	strace s18  }
0x9a: {  	s6 =	sld [smem:$0x3FFC];
	_ =	sdelay $0x3  }
0x9b: {  	_ =	strace s6  }
0x9c: {  	s6 =	sld [smem:$0x3FFD];
	_ =	sdelay $0x3  }
0x9d: {  	_ =	strace s6  }
0x9e: {  	_ =	strace $0x8FFFFFFF  }
0x9f: {  	s19 =	sld [smem:$0x3FDB];
	_ =	sdelay $0x1  }
0xa0: {  	s7 =	simm.s32 $_scs_section_size  }
0xa1: {  	s8 =	simm.s32 $_size__tile_overlayer_lowered;
	s9 =	simm.s32 $_tile_overlayer_lowered  }
0xa2: {  	s22 =	simm.s32 $0x1BFF;
	s21 =	sshll.u32 s9, $0x1;
	s6 =	sadd.s32 s7, s19  }
0xa3: {  	s10 =	simm.s32 $0x0;
	s20 =	sshll.u32 s8, $0x1;
	s8 =	sadd.s32 s21, s6  }
0xa4: {  	[timem:s10], [sflag:s22] =	dma.local [hbm:s8], s20  }
0xa5: {  	_ =	swait.ge [sflag:s22], s20  }
0xa6: {  	s7 =	ssub.s32 $0x0, s20;
	[sflag:s22] =	ssyncset.done $0x0  }
0xa7: {  	[sflag:s22] =	ssyncadd.s32 s7;
	_ =	sdelay $0x1  }
0xa8: {  	s23 =	simm.s32 $0x1B8B  }
0xa9: {  	_ =	swait.ge [sflag:s23], $0x1  }
0xaa: {  	[sflag:s23] =	ssyncset.done $0x0  }
0xab: {  	s25 =	simm.s32 $0x1B8E;
	s24 =	sld [smem:$0x3FFE];
	[sflag:s23] =	ssyncadd.s32 $0xFFFFFFFF  }
0xac: {  	s26 =	simm.s32 $execute0_lowered;
	[smem:$0x3FD2] =	sst s25  }
0xad: {  	s8 =	sshll.u32 s26, $0x1;
	_ =	strace $0x80000046;
	[dreg:$0x1] =	wrdreg $0xFFFFFFFF  }
0xae: {  	s28 =	simm.s32 $_size_execute0_lowered;
	s6 =	sadd.s32 s6, s8;
	[dreg:$0x0] =	wrdreg $0x0  }
0xaf: {  	s8 =	sshll.u32 s28, $0x1;
	[dreg:$0x2] =	wrdreg s6  }
0xb0: {  	[dreg:$0x3] =	wrdreg s8  }
0xb1: {  	[dreg:$0x4] =	wrdreg $0xC0  }
0xb2: {  	_ =	task [dreg:s10], $0x5FFFF  }
0xb3: {  	[dreg:$0x1] =	wrdreg $0xFFFFFFFF  }
0xb4: {  	[dreg:$0x0] =	wrdreg $0x60  }
0xb5: {  	[dreg:$0x2] =	wrdreg s24  }
0xb6: {  	[dreg:$0x3] =	wrdreg s15  }
0xb7: {  	[dreg:$0x4] =	wrdreg s4  }
0xb8: {  	[dreg:$0x5] =	wrdreg s16  }
0xb9: {  	[dreg:$0x6] =	wrdreg s17  }
0xba: {  	[dreg:$0x7] =	wrdreg $0x9  }
0xbb: {  	_ =	task.clear_ibuf [dreg:s10], $0x8FFFF;
	_ =	strace $0x90000046  }
0xbc: {  	s29 =	simm.s32 $0x9;
	_ =	strace $0x80000048  }
0xbd: {  	_ =	swait.ge [sflag:s29], $0x1  }
0xbe: {  	[sflag:s29] =	ssyncadd.s32 $0xFFFFFFFF  }
0xbf: {  	_ =	strace $0x90000048  }
0xc0: {  	_ =	sfence  }
0xc1: {  	s30 =	sld [smem:$0x0];
	_ =	sdelay $0x2  }
0xc2: {  	s31 =	sshll.u32 s1, $0xD;
	s1 =	sshrl.u32 s1, $0x2  }
0xc3: {  	s3 =	sand.u32 $0x4000, s31;
	s1 =	sadd.s32 s1, s30  }
0xc4: {  	s0 =	sor.u32 s3, s0;
	s1 =	sshll.u32 s1, $0x11  }
0xc5: {  	s0 =	sor.u32 s1, s0  }
0xc6: {  	s0 =	sadd.s32 $0x8F2B, s0  }
0xc7: {  	[sflag:s0] =	ssyncadd.remote.s32 $0x1  }
0xc8: {  	_ =	sfence.sel $0xFFFF  }
0xc9: {  	[dreg:$0x0] =	wrdreg $0xFFFFFFFF;
	(pc) =	sbr.abs _section_cstart, $3  }
0xca: {  	[dreg:$0x1] =	wrdreg $0xFFFFFFFF  }
0xcb: {  	_ =	task.clear_ibuf [dreg:s10], $0x2FFFF;
	_ =	strace $0x9FFFFFFF  }
0xcc: {  	(tm) =	ssettm $0x7FFFFFFF  }
0xcd: {  	_ =	shalt  }
tec
execute0_lowered:
.L_overlay_start_1:
0x0: {  	(tag) =	ssettag $0x1  }
0x1: {  	s6 =	rddreg [dreg:$0x0]  }
0x2: {  	s0 =	rddreg [dreg:$0x1]  }
0x3: {  	s1 =	rddreg [dreg:$0x2]  }
0x4: {  	s2 =	srdreg.scid;
	s4 =	rddreg [dreg:$0x3]  }
0x5: {  	s5 =	rddreg [dreg:$0x4];
	s3 =	stileid.u32  }
0x6: {  	s11 =	simm.s32 $0x80;
	s12 =	simm.s32 $0x1;
	s7 =	sand.u32 $0x1, s2  }
.Ltmp0:
0x7: {  	s2 =	rddreg [dreg:$0x5];
	s10 =	sshll.u32 s3, $0x1;
	(pc) =	sbr.rel .LBB2_1-.Ltmp0, $4  }
0x8: {  	_ =	strace $0x80000047;
	s6 =	sadd.s32 $0xA00, s6;
	s8 =	ssub.s32 $0x2, s7  }
0x9: {  	s13 =	sor.u32 s7, s10;
	s10 =	simm.s32 $0x20;
	s9 =	sshrl.u32 s8, $0x1  }
0xa: {  	p0 =	seq.s32 s13, $0x0;
	p1 =	sne.s32 s13, $0x1;
	s8 =	ssub.s32 s8, s9  }
0xb: {  	s9 =	simm.s32 $0x2;
	s7 =	smax.u32 s8, $0x1;
	s8 =	simm.s32 $0x0  }
.LBB2_4:
0xc: {  	[tilespmem:s8], [sflag:$0x2] =	stream.linear.gather [hbm4b:s6+s8], $0x80, $0x38;
	[tilespmem:$0x100] =	vst v63  }
0xd: {  	_ =	swait.ge [sflag:s9], $0x80  }
0xe: {  	[sflag:s9] =	ssyncset.done $0x0  }
0xf: {  	[sflag:s9] =	ssyncadd.s32 $0xFFFFFF80  }
0x10: {  	[tilespmem:s11], [sflag:$0x1] =	stream.indirect.gather [hbm4b:s14+s10], $0x1, s8, s10, $0xb8;
	[tilespmem:$0x100] =	vst v63  }
0x11: {  	_ =	swait.ge [sflag:s12], $0x20  }
0x12: {  	[sflag:s12] =	ssyncset.done $0x0  }
0x13: {  	[sflag:s12] =	ssyncadd.s32 $0xFFFFFFE0  }
0x14: {  	[hbm4b:s13+s8] =	stream.linear.scatter [tilespmem:s11], [sflag:$0x2], $0x80, $0x38;
	[tilespmem:$0x100] =	vst v63  }
0x15: {  	_ =	swait.ge [sflag:s9], $0x80  }
0x16: {  	[sflag:s9] =	ssyncset.done $0x0  }
0x17: {  	[sflag:s9] =	ssyncadd.s32 $0xFFFFFF80  }
.LBB2_5:
0x18: {  	s7 =	sadd.s32 $0xFFFFFFFF, s7  }
0x19: {  	p2 =	sne.s32 s7, $0x0  }
.Ltmp1:
0x1a: {  	_ = 	snop;
	(pc) =	sbr.rel @!p2 .LBB2_6-.Ltmp1, $1  }
0x1b: {  	_ =	sdelay $0x3  }
.LBB2_1:
.Ltmp2:
0x1c: {  	(pc) =	sbr.rel @p0 .LBB2_4-.Ltmp2, $2  }
0x1d: {  	_ =	sdelay $0x2  }
0x1e: {  	s14 =	smov.u32 s0;
	s13 =	smov.u32 s4  }
.Ltmp3:
0x1f: {  	(pc) =	sbr.rel @p1 .LBB2_5-.Ltmp3, $1  }
0x20: {  	_ =	sdelay $0x3  }
.Ltmp4:
0x21: {  	(pc) =	sbr.rel .LBB2_4-.Ltmp4, $2  }
0x22: {  	_ =	sdelay $0x2  }
0x23: {  	s14 =	smov.u32 s1;
	s13 =	smov.u32 s5  }
.LBB2_6:
0x24: {  	_ =	sfence.sel $0x180000  }
0x25: {  	[bflag:$0x0] =	sbarrier.arrive $0xFFFF  }
0x26: {  	p0 =	sne.s32 s3, $0x0;
	_ =	strace $0x90000047  }
0x27: {  	s0 =	sadd.s32 @!p0 $0x100000, s2;
	[bflag:$0x2] =	sbarrier.arrive $0xFFFF  }
0x28: {  	[sflag:s0] =	ssyncadd.tile.s32 @!p0 $0x1;
	_ =	shalt  }
.Lfunc_end2:
_tile_overlayer_lowered:
.L_overlay_start_2:
0x29: {  	(tag) =	ssettag $0x2  }
0x2a: {  	s0 =	rddreg [dreg:$0x0];
	s2 =	stileid.u32  }
0x2b: {  	s1 =	rddreg [dreg:$0x1];
	p0 =	sne.s32 s2, $0x0  }
0x2c: {  	s3 =	rddreg [dreg:$0x2];
	[bflag:$0x3] =	sbarrier.arrive $0xFFFF;
	s2 =	simm.s32 @!p0 $0x1C02  }
0x2d: {  	[timem:s3], [sflag:s2] =	dma.local @!p0 [hbm:s0], s1  }
0x2e: {  	s0 =	simm.s32 @!p0 $0x2  }
0x2f: {  	_ =	swait.ge @!p0 [sflag:s0], s1  }
0x30: {  	s1 =	ssub.s32 @!p0 $0x0, s1;
	[sflag:s0] =	ssyncset.done @!p0 $0x0  }
0x31: {  	[sflag:s0] =	ssyncadd.s32 @!p0 s1  }
0x32: {  	[bflag:$0x3] =	sbarrier.arrive $0xFFFF  }
0x33: {  	_ =	shalt  }

</sc_bundles>
